<compile_context>
chip_gen: v7x
topology: tpu7x:2x2x1
jax: 0.10.2.dev20260603
libtpu: 0.0.44.dev20260713+nightly
codegen_flags: <defaults>
</compile_context>

<pallas_src>
import functools

import jax
import jax.numpy as jnp
from jax import lax
from jax.experimental import pallas as pl
from jax.experimental.pallas import tpu as pltpu
from jax.experimental.pallas import tpu_sc as plsc

K = 8192
D = 64
N_TOK = 16384
T = 256
GRID = N_TOK // T
KC = 1024
NKC = K // KC
INV_N = 1.0 / N_TOK
COMMIT = 0.25
DN = (((1,), (1,)), ((), ()))


def _dist_kernel(z_ref, e_ref, idx_ref, loss_ref, ppl_ref, cnt_ref):
    i = pl.program_id(0)
    z = z_ref[...]
    e = e_ref[...]
    z2 = jnp.sum(z * z, axis=1, keepdims=True)
    e2 = jnp.sum(e * e, axis=1)
    dT = lax.dot_general(e, z, DN, preferred_element_type=jnp.float32)
    scores = (z2 - 2.0 * dT.T) + e2[None, :]

    H = K // 2
    col = lax.broadcasted_iota(jnp.int32, (T, H), 1)
    s0 = scores[:, :H]
    s1 = scores[:, H:]
    m0 = jnp.min(s0, axis=1, keepdims=True)
    i0 = jnp.min(jnp.where(s0 == m0, col, K), axis=1)
    m1 = jnp.min(s1, axis=1, keepdims=True)
    i1 = jnp.min(jnp.where(s1 == m1, col, K), axis=1) + H
    m0b = m0.astype(jnp.bfloat16).astype(jnp.float32)
    take1 = m1[:, 0] < m0b[:, 0]
    idx = jnp.where(take1, i1, i0)
    idx_ref[...] = idx[None, None, :]

    tile_sum = jnp.sum(jnp.where(take1, m1[:, 0], m0[:, 0]))

    @pl.when(i == 0)
    def _():
        cnt_ref[...] = jnp.zeros((1, K), jnp.float32)
        loss_ref[...] = jnp.zeros((1, 1), jnp.float32)

    loss_ref[...] = loss_ref[...] + tile_sum
    for c in range(NKC):
        code_ids = lax.broadcasted_iota(jnp.int32, (1, KC), 1) + c * KC
        eq = (idx[:, None] == code_ids).astype(jnp.float32)
        part = jnp.sum(eq, axis=0, keepdims=True)
        cnt_ref[0:1, c * KC:(c + 1) * KC] = cnt_ref[0:1, c * KC:(c + 1) * KC] + part

    @pl.when(i == GRID - 1)
    def _():
        loss_ref[...] = loss_ref[...] * (COMMIT / (N_TOK * D))
        p = cnt_ref[...] * INV_N
        ent = jnp.sum(p * jnp.log(p + 1e-10))
        ppl_ref[...] = jnp.broadcast_to(jnp.exp(-ent), (1, 1))


_dist_call = pl.pallas_call(
    _dist_kernel,
    grid=(GRID,),
    in_specs=[
        pl.BlockSpec((T, D), lambda i: (i, 0)),
        pl.BlockSpec((K, D), lambda i: (0, 0)),
    ],
    out_specs=[
        pl.BlockSpec((1, 1, T), lambda i: (i, 0, 0)),
        pl.BlockSpec((1, 1), lambda i: (0, 0)),
        pl.BlockSpec((1, 1), lambda i: (0, 0)),
    ],
    out_shape=[
        jax.ShapeDtypeStruct((GRID, 1, T), jnp.int32),
        jax.ShapeDtypeStruct((1, 1), jnp.float32),
        jax.ShapeDtypeStruct((1, 1), jnp.float32),
    ],
    scratch_shapes=[pltpu.VMEM((1, K), jnp.float32)],
)



_NC = 2
_NS = 16
NW = _NC * _NS
BPW = N_TOK // NW
CH = 128
NCH = BPW // CH
DP = 128


def _gather_body(emb_hbm, idx_hbm, out_hbm, idx_v, rows_v, sem):
    wid = lax.axis_index("s") * _NC + lax.axis_index("c")
    pltpu.sync_copy(idx_hbm.at[wid], idx_v)
    copies = [
        pltpu.async_copy(emb_hbm.at[idx_v.at[j]],
                         rows_v.at[pl.ds(j * CH, CH)], sem)
        for j in range(NCH)
    ]
    for cp in copies:
        cp.wait()
    pltpu.sync_copy(rows_v, out_hbm.at[pl.ds(wid * BPW, BPW)])


@functools.cache
def _sc_gather_fn():
    return pl.kernel(
        _gather_body,
        mesh=plsc.VectorSubcoreMesh(core_axis_name="c", subcore_axis_name="s",
                                    num_cores=_NC),
        out_type=jax.ShapeDtypeStruct((N_TOK, DP), jnp.float32),
        scratch_types=[
            pltpu.VMEM((NCH, CH), jnp.int32),
            pltpu.VMEM((BPW, DP), jnp.float32),
            pltpu.SemaphoreType.DMA,
        ],
    )


def kernel(z_e, embedding):
    z = jnp.transpose(z_e, (0, 2, 3, 1)).reshape(N_TOK, D)
    idx3, loss, ppl = _dist_call(z, embedding)
    idx = idx3.reshape(N_TOK)
    emb_pad = jnp.pad(embedding, ((0, 0), (0, DP - D)))
    qflat = _sc_gather_fn()(emb_pad, idx.reshape(NW, NCH, CH))[:, :D]
    quant = qflat.reshape(16, 32, 32, 64).transpose(0, 3, 1, 2)
    return (quant, loss.reshape(()), ppl.reshape(()),
            idx.reshape(16, 32, 32))

# --- scband reference (transcript-rebuilt; emitter-appended) ---
"""Pipeline reference for scband-vector-quantizer-ema-9749575762203 (READ-ONLY COPY).

The authoritative reference and input builder live on the scoring server;
editing this copy changes nothing except your own understanding.
"""

import jax, jax.numpy as jnp
import numpy as np

NUM_EMBEDDINGS = 8192
EMBEDDING_DIM = 64
COMMITMENT_COST = 0.25


def setup_inputs(seed: int = 0) -> dict:
    key = jax.random.key(seed)
    k1, k2 = jax.random.split(key)
    z_e = jax.random.normal(k1, (16, 64, 32, 32), dtype=jnp.float32)
    embedding = jax.random.normal(k2, (NUM_EMBEDDINGS, EMBEDDING_DIM), dtype=jnp.float32)
    return {"z_e": z_e, "embedding": embedding}


def reference(z_e, embedding):
    # eval-mode forward (no EMA buffer updates)
    z = jnp.transpose(z_e, (0, 2, 3, 1))
    flat_z = z.reshape(-1, EMBEDDING_DIM)
    distances = (
        jnp.sum(flat_z ** 2, axis=1, keepdims=True)
        - 2.0 * flat_z @ embedding.T
        + jnp.sum(embedding ** 2, axis=1)
    )
    encoding_indices = jnp.argmin(distances, axis=1)
    encodings = jax.nn.one_hot(encoding_indices, NUM_EMBEDDINGS, dtype=z.dtype)
    quantized = jnp.take(embedding, encoding_indices, axis=0)
    quantized = quantized.reshape(z.shape)
    quantized = jnp.transpose(quantized, (0, 3, 1, 2))
    e_loss = jnp.mean((jax.lax.stop_gradient(quantized) - z_e) ** 2)
    loss = COMMITMENT_COST * e_loss
    quantized_st = z_e + jax.lax.stop_gradient(quantized - z_e)
    avg_probs = jnp.mean(encodings.astype(jnp.float32), axis=0)
    perplexity = jnp.exp(-jnp.sum(avg_probs * jnp.log(avg_probs + 1e-10)))
    idx_map = encoding_indices.reshape(z_e.shape[0], z_e.shape[2], z_e.shape[3])
    return (quantized_st, loss, perplexity, idx_map)

if __name__ == "__main__":
    import jax
    _d = setup_inputs()
    print(jax.jit(kernel)(*tuple(_d.values())))

</pallas_src>

<mosaic_0001>
#map = affine_map<(d0, d1) -> (0, 0)>
#map1 = affine_map<(d0, d1) -> (0, 0, 0)>
module attributes {stable_mosaic.version = 14 : i64} {
  func.func @_gather_body(%arg0: i32, %arg1: i32, %arg2: memref<8192x128xf32, #tpu.memory_space<hbm>>, %arg3: memref<32x4x128xi32, #tpu.memory_space<hbm>>, %arg4: memref<16384x128xf32, #tpu.memory_space<hbm>>, %arg5: memref<4x128xi32, #tpu.memory_space<vmem>>, %arg6: memref<512x128xf32, #tpu.memory_space<vmem>>, %arg7: memref<!tpu.dma_semaphore, #tpu.memory_space<semaphore_mem>>) attributes {dimension_semantics = [#tpu.dimension_semantics<core_parallel>, #tpu.dimension_semantics<subcore_parallel>], iteration_bounds = array<i64: 2, 16>, scalar_prefetch = 0 : i64, scratch_operands = 3 : i64, tpu.core_type = #tpu.core_type<sc_vector_subcore>, window_params = [{transform_indices = #map}, {transform_indices = #map1}, {transform_indices = #map}]} {
    %mul3A = arith.constant 2 : i32
    %mul3A_0 = arith.muli %arg1, %mul3A : i32
    %add3A = arith.addi %mul3A_0, %arg0 : i32
    "tpu.region"() ({
      %run_scoped3A = tpu.sem_alloc : memref<!tpu.dma_semaphore, #tpu.memory_space<semaphore_mem>>
      %dma_start3A_81 = arith.constant 0 : i32
      %dma_start3A_82 = arith.constant 0 : i32
      %dma_start3A_83 = tpu.memref_slice %arg3[%add3A, %dma_start3A_81, %dma_start3A_82] : memref<32x4x128xi32, #tpu.memory_space<hbm>> -> memref<1x4x128xi32, #tpu.memory_space<hbm>>
      %dma_start3A_84 = tpu.memref_squeeze %dma_start3A_83 : memref<1x4x128xi32, #tpu.memory_space<hbm>> -> memref<4x128xi32, #tpu.memory_space<hbm>>
      %dma_start3A_85 = arith.constant 0 : i32
      %dma_start3A_86 = arith.constant 0 : i32
      %dma_start3A_87 = tpu.memref_slice %arg3[%add3A, %dma_start3A_85, %dma_start3A_86] : memref<32x4x128xi32, #tpu.memory_space<hbm>> -> memref<1x4x128xi32, #tpu.memory_space<hbm>>
      %dma_start3A_88 = tpu.memref_squeeze %dma_start3A_87 : memref<1x4x128xi32, #tpu.memory_space<hbm>> -> memref<4x128xi32, #tpu.memory_space<hbm>>
      tpu.enqueue_dma source(%dma_start3A_88 : memref<4x128xi32, #tpu.memory_space<hbm>>) target(%arg5 : memref<4x128xi32, #tpu.memory_space<vmem>>) target_semaphore(%run_scoped3A : memref<!tpu.dma_semaphore, #tpu.memory_space<semaphore_mem>>)
      %dma_wait3A_89 = arith.constant 0 : i32
      %dma_wait3A_90 = arith.constant 0 : i32
      %dma_wait3A_91 = tpu.memref_slice %arg3[%add3A, %dma_wait3A_89, %dma_wait3A_90] : memref<32x4x128xi32, #tpu.memory_space<hbm>> -> memref<1x4x128xi32, #tpu.memory_space<hbm>>
      %dma_wait3A_92 = tpu.memref_squeeze %dma_wait3A_91 : memref<1x4x128xi32, #tpu.memory_space<hbm>> -> memref<4x128xi32, #tpu.memory_space<hbm>>
      %dma_wait3A_93 = arith.constant 0 : i32
      %dma_wait3A_94 = arith.constant 0 : i32
      %dma_wait3A_95 = tpu.memref_slice %arg3[%add3A, %dma_wait3A_93, %dma_wait3A_94] : memref<32x4x128xi32, #tpu.memory_space<hbm>> -> memref<1x4x128xi32, #tpu.memory_space<hbm>>
      %dma_wait3A_96 = tpu.memref_squeeze %dma_wait3A_95 : memref<1x4x128xi32, #tpu.memory_space<hbm>> -> memref<4x128xi32, #tpu.memory_space<hbm>>
      tpu.wait_dma2 semaphore(%run_scoped3A : memref<!tpu.dma_semaphore, #tpu.memory_space<semaphore_mem>>) src(%dma_wait3A_96 : memref<4x128xi32, #tpu.memory_space<hbm>>) dst(%arg5 : memref<4x128xi32, #tpu.memory_space<vmem>>)
      tpu.yield
    }) : () -> ()
    %dma_start3A = arith.constant 0 : i32
    %dma_start3A_1 = arith.constant 0 : i32
    %dma_start3A_2 = arith.constant 0 : i32
    %dma_start3A_3 = tpu.memref_slice %arg6[%dma_start3A_1, %dma_start3A_2] : memref<512x128xf32, #tpu.memory_space<vmem>> -> memref<128x128xf32, #tpu.memory_space<vmem>>
    %dma_start3A_4 = arith.constant 0 : i32
    %dma_start3A_5 = tpu.memref_slice %arg5[%dma_start3A, %dma_start3A_4] : memref<4x128xi32, #tpu.memory_space<vmem>> -> memref<1x128xi32, #tpu.memory_space<vmem>>
    %dma_start3A_6 = tpu.memref_squeeze %dma_start3A_5 : memref<1x128xi32, #tpu.memory_space<vmem>> -> memref<128xi32, #tpu.memory_space<vmem>>
    %dma_start3A_7 = arith.constant 0 : i32
    %dma_start3A_8 = arith.constant 0 : i32
    %dma_start3A_9 = tpu.memref_slice %arg2[%dma_start3A_7, %dma_start3A_8] : memref<8192x128xf32, #tpu.memory_space<hbm>> -> memref<8192x128xf32, #tpu.memory_space<hbm>>
    tpu.enqueue_indirect_dma source(%dma_start3A_9 : memref<8192x128xf32, #tpu.memory_space<hbm>>) target(%dma_start3A_3 : memref<128x128xf32, #tpu.memory_space<vmem>>) offsets(%dma_start3A_6 : memref<128xi32, #tpu.memory_space<vmem>>) semaphore(%arg7 : memref<!tpu.dma_semaphore, #tpu.memory_space<semaphore_mem>>)
    %dma_start3A_10 = arith.constant 1 : i32
    %dma_start3A_11 = arith.constant 128 : i32
    %dma_start3A_12 = arith.constant 0 : i32
    %dma_start3A_13 = tpu.memref_slice %arg6[%dma_start3A_11, %dma_start3A_12] : memref<512x128xf32, #tpu.memory_space<vmem>> -> memref<128x128xf32, #tpu.memory_space<vmem>>
    %dma_start3A_14 = arith.constant 0 : i32
    %dma_start3A_15 = tpu.memref_slice %arg5[%dma_start3A_10, %dma_start3A_14] : memref<4x128xi32, #tpu.memory_space<vmem>> -> memref<1x128xi32, #tpu.memory_space<vmem>>
    %dma_start3A_16 = tpu.memref_squeeze %dma_start3A_15 : memref<1x128xi32, #tpu.memory_space<vmem>> -> memref<128xi32, #tpu.memory_space<vmem>>
    %dma_start3A_17 = arith.constant 0 : i32
    %dma_start3A_18 = arith.constant 0 : i32
    %dma_start3A_19 = tpu.memref_slice %arg2[%dma_start3A_17, %dma_start3A_18] : memref<8192x128xf32, #tpu.memory_space<hbm>> -> memref<8192x128xf32, #tpu.memory_space<hbm>>
    tpu.enqueue_indirect_dma source(%dma_start3A_19 : memref<8192x128xf32, #tpu.memory_space<hbm>>) target(%dma_start3A_13 : memref<128x128xf32, #tpu.memory_space<vmem>>) offsets(%dma_start3A_16 : memref<128xi32, #tpu.memory_space<vmem>>) semaphore(%arg7 : memref<!tpu.dma_semaphore, #tpu.memory_space<semaphore_mem>>)
    %dma_start3A_20 = arith.constant 2 : i32
    %dma_start3A_21 = arith.constant 256 : i32
    %dma_start3A_22 = arith.constant 0 : i32
    %dma_start3A_23 = tpu.memref_slice %arg6[%dma_start3A_21, %dma_start3A_22] : memref<512x128xf32, #tpu.memory_space<vmem>> -> memref<128x128xf32, #tpu.memory_space<vmem>>
    %dma_start3A_24 = arith.constant 0 : i32
    %dma_start3A_25 = tpu.memref_slice %arg5[%dma_start3A_20, %dma_start3A_24] : memref<4x128xi32, #tpu.memory_space<vmem>> -> memref<1x128xi32, #tpu.memory_space<vmem>>
    %dma_start3A_26 = tpu.memref_squeeze %dma_start3A_25 : memref<1x128xi32, #tpu.memory_space<vmem>> -> memref<128xi32, #tpu.memory_space<vmem>>
    %dma_start3A_27 = arith.constant 0 : i32
    %dma_start3A_28 = arith.constant 0 : i32
    %dma_start3A_29 = tpu.memref_slice %arg2[%dma_start3A_27, %dma_start3A_28] : memref<8192x128xf32, #tpu.memory_space<hbm>> -> memref<8192x128xf32, #tpu.memory_space<hbm>>
    tpu.enqueue_indirect_dma source(%dma_start3A_29 : memref<8192x128xf32, #tpu.memory_space<hbm>>) target(%dma_start3A_23 : memref<128x128xf32, #tpu.memory_space<vmem>>) offsets(%dma_start3A_26 : memref<128xi32, #tpu.memory_space<vmem>>) semaphore(%arg7 : memref<!tpu.dma_semaphore, #tpu.memory_space<semaphore_mem>>)
    %dma_start3A_30 = arith.constant 3 : i32
    %dma_start3A_31 = arith.constant 384 : i32
    %dma_start3A_32 = arith.constant 0 : i32
    %dma_start3A_33 = tpu.memref_slice %arg6[%dma_start3A_31, %dma_start3A_32] : memref<512x128xf32, #tpu.memory_space<vmem>> -> memref<128x128xf32, #tpu.memory_space<vmem>>
    %dma_start3A_34 = arith.constant 0 : i32
    %dma_start3A_35 = tpu.memref_slice %arg5[%dma_start3A_30, %dma_start3A_34] : memref<4x128xi32, #tpu.memory_space<vmem>> -> memref<1x128xi32, #tpu.memory_space<vmem>>
    %dma_start3A_36 = tpu.memref_squeeze %dma_start3A_35 : memref<1x128xi32, #tpu.memory_space<vmem>> -> memref<128xi32, #tpu.memory_space<vmem>>
    %dma_start3A_37 = arith.constant 0 : i32
    %dma_start3A_38 = arith.constant 0 : i32
    %dma_start3A_39 = tpu.memref_slice %arg2[%dma_start3A_37, %dma_start3A_38] : memref<8192x128xf32, #tpu.memory_space<hbm>> -> memref<8192x128xf32, #tpu.memory_space<hbm>>
    tpu.enqueue_indirect_dma source(%dma_start3A_39 : memref<8192x128xf32, #tpu.memory_space<hbm>>) target(%dma_start3A_33 : memref<128x128xf32, #tpu.memory_space<vmem>>) offsets(%dma_start3A_36 : memref<128xi32, #tpu.memory_space<vmem>>) semaphore(%arg7 : memref<!tpu.dma_semaphore, #tpu.memory_space<semaphore_mem>>)
    %dma_wait3A = arith.constant 0 : i32
    %dma_wait3A_40 = arith.constant 0 : i32
    %dma_wait3A_41 = arith.constant 0 : i32
    %dma_wait3A_42 = tpu.memref_slice %arg6[%dma_wait3A_40, %dma_wait3A_41] : memref<512x128xf32, #tpu.memory_space<vmem>> -> memref<128x128xf32, #tpu.memory_space<vmem>>
    %dma_wait3A_43 = arith.constant 0 : i32
    %dma_wait3A_44 = tpu.memref_slice %arg5[%dma_wait3A, %dma_wait3A_43] : memref<4x128xi32, #tpu.memory_space<vmem>> -> memref<1x128xi32, #tpu.memory_space<vmem>>
    %dma_wait3A_45 = tpu.memref_squeeze %dma_wait3A_44 : memref<1x128xi32, #tpu.memory_space<vmem>> -> memref<128xi32, #tpu.memory_space<vmem>>
    %dma_wait3A_46 = arith.constant 0 : i32
    %dma_wait3A_47 = arith.constant 0 : i32
    %dma_wait3A_48 = tpu.memref_slice %arg2[%dma_wait3A_46, %dma_wait3A_47] : memref<8192x128xf32, #tpu.memory_space<hbm>> -> memref<8192x128xf32, #tpu.memory_space<hbm>>
    tpu.wait_indirect_dma semaphore(%arg7 : memref<!tpu.dma_semaphore, #tpu.memory_space<semaphore_mem>>) src(%dma_wait3A_48 : memref<8192x128xf32, #tpu.memory_space<hbm>>) dst(%dma_wait3A_42 : memref<128x128xf32, #tpu.memory_space<vmem>>)
    %dma_wait3A_49 = arith.constant 1 : i32
    %dma_wait3A_50 = arith.constant 128 : i32
    %dma_wait3A_51 = arith.constant 0 : i32
    %dma_wait3A_52 = tpu.memref_slice %arg6[%dma_wait3A_50, %dma_wait3A_51] : memref<512x128xf32, #tpu.memory_space<vmem>> -> memref<128x128xf32, #tpu.memory_space<vmem>>
    %dma_wait3A_53 = arith.constant 0 : i32
    %dma_wait3A_54 = tpu.memref_slice %arg5[%dma_wait3A_49, %dma_wait3A_53] : memref<4x128xi32, #tpu.memory_space<vmem>> -> memref<1x128xi32, #tpu.memory_space<vmem>>
    %dma_wait3A_55 = tpu.memref_squeeze %dma_wait3A_54 : memref<1x128xi32, #tpu.memory_space<vmem>> -> memref<128xi32, #tpu.memory_space<vmem>>
    %dma_wait3A_56 = arith.constant 0 : i32
    %dma_wait3A_57 = arith.constant 0 : i32
    %dma_wait3A_58 = tpu.memref_slice %arg2[%dma_wait3A_56, %dma_wait3A_57] : memref<8192x128xf32, #tpu.memory_space<hbm>> -> memref<8192x128xf32, #tpu.memory_space<hbm>>
    tpu.wait_indirect_dma semaphore(%arg7 : memref<!tpu.dma_semaphore, #tpu.memory_space<semaphore_mem>>) src(%dma_wait3A_58 : memref<8192x128xf32, #tpu.memory_space<hbm>>) dst(%dma_wait3A_52 : memref<128x128xf32, #tpu.memory_space<vmem>>)
    %dma_wait3A_59 = arith.constant 2 : i32
    %dma_wait3A_60 = arith.constant 256 : i32
    %dma_wait3A_61 = arith.constant 0 : i32
    %dma_wait3A_62 = tpu.memref_slice %arg6[%dma_wait3A_60, %dma_wait3A_61] : memref<512x128xf32, #tpu.memory_space<vmem>> -> memref<128x128xf32, #tpu.memory_space<vmem>>
    %dma_wait3A_63 = arith.constant 0 : i32
    %dma_wait3A_64 = tpu.memref_slice %arg5[%dma_wait3A_59, %dma_wait3A_63] : memref<4x128xi32, #tpu.memory_space<vmem>> -> memref<1x128xi32, #tpu.memory_space<vmem>>
    %dma_wait3A_65 = tpu.memref_squeeze %dma_wait3A_64 : memref<1x128xi32, #tpu.memory_space<vmem>> -> memref<128xi32, #tpu.memory_space<vmem>>
    %dma_wait3A_66 = arith.constant 0 : i32
    %dma_wait3A_67 = arith.constant 0 : i32
    %dma_wait3A_68 = tpu.memref_slice %arg2[%dma_wait3A_66, %dma_wait3A_67] : memref<8192x128xf32, #tpu.memory_space<hbm>> -> memref<8192x128xf32, #tpu.memory_space<hbm>>
    tpu.wait_indirect_dma semaphore(%arg7 : memref<!tpu.dma_semaphore, #tpu.memory_space<semaphore_mem>>) src(%dma_wait3A_68 : memref<8192x128xf32, #tpu.memory_space<hbm>>) dst(%dma_wait3A_62 : memref<128x128xf32, #tpu.memory_space<vmem>>)
    %dma_wait3A_69 = arith.constant 3 : i32
    %dma_wait3A_70 = arith.constant 384 : i32
    %dma_wait3A_71 = arith.constant 0 : i32
    %dma_wait3A_72 = tpu.memref_slice %arg6[%dma_wait3A_70, %dma_wait3A_71] : memref<512x128xf32, #tpu.memory_space<vmem>> -> memref<128x128xf32, #tpu.memory_space<vmem>>
    %dma_wait3A_73 = arith.constant 0 : i32
    %dma_wait3A_74 = tpu.memref_slice %arg5[%dma_wait3A_69, %dma_wait3A_73] : memref<4x128xi32, #tpu.memory_space<vmem>> -> memref<1x128xi32, #tpu.memory_space<vmem>>
    %dma_wait3A_75 = tpu.memref_squeeze %dma_wait3A_74 : memref<1x128xi32, #tpu.memory_space<vmem>> -> memref<128xi32, #tpu.memory_space<vmem>>
    %dma_wait3A_76 = arith.constant 0 : i32
    %dma_wait3A_77 = arith.constant 0 : i32
    %dma_wait3A_78 = tpu.memref_slice %arg2[%dma_wait3A_76, %dma_wait3A_77] : memref<8192x128xf32, #tpu.memory_space<hbm>> -> memref<8192x128xf32, #tpu.memory_space<hbm>>
    tpu.wait_indirect_dma semaphore(%arg7 : memref<!tpu.dma_semaphore, #tpu.memory_space<semaphore_mem>>) src(%dma_wait3A_78 : memref<8192x128xf32, #tpu.memory_space<hbm>>) dst(%dma_wait3A_72 : memref<128x128xf32, #tpu.memory_space<vmem>>)
    %mul3A_79 = arith.constant 512 : i32
    %mul3A_80 = arith.muli %add3A, %mul3A_79 : i32
    "tpu.region"() ({
      %run_scoped3A = tpu.sem_alloc : memref<!tpu.dma_semaphore, #tpu.memory_space<semaphore_mem>>
      %dma_start3A_81 = arith.constant 0 : i32
      %dma_start3A_82 = tpu.memref_slice %arg4[%mul3A_80, %dma_start3A_81] : memref<16384x128xf32, #tpu.memory_space<hbm>> -> memref<512x128xf32, #tpu.memory_space<hbm>>
      %dma_start3A_83 = arith.constant 0 : i32
      %dma_start3A_84 = tpu.memref_slice %arg4[%mul3A_80, %dma_start3A_83] : memref<16384x128xf32, #tpu.memory_space<hbm>> -> memref<512x128xf32, #tpu.memory_space<hbm>>
      tpu.enqueue_dma source(%arg6 : memref<512x128xf32, #tpu.memory_space<vmem>>) target(%dma_start3A_84 : memref<512x128xf32, #tpu.memory_space<hbm>>) target_semaphore(%run_scoped3A : memref<!tpu.dma_semaphore, #tpu.memory_space<semaphore_mem>>)
      %dma_wait3A_85 = arith.constant 0 : i32
      %dma_wait3A_86 = tpu.memref_slice %arg4[%mul3A_80, %dma_wait3A_85] : memref<16384x128xf32, #tpu.memory_space<hbm>> -> memref<512x128xf32, #tpu.memory_space<hbm>>
      %dma_wait3A_87 = arith.constant 0 : i32
      %dma_wait3A_88 = tpu.memref_slice %arg4[%mul3A_80, %dma_wait3A_87] : memref<16384x128xf32, #tpu.memory_space<hbm>> -> memref<512x128xf32, #tpu.memory_space<hbm>>
      tpu.wait_dma2 semaphore(%run_scoped3A : memref<!tpu.dma_semaphore, #tpu.memory_space<semaphore_mem>>) src(%arg6 : memref<512x128xf32, #tpu.memory_space<vmem>>) dst(%dma_wait3A_88 : memref<512x128xf32, #tpu.memory_space<hbm>>)
      tpu.yield
    }) : () -> ()
    return
  }
}

module attributes {stable_mosaic.version = 14 : i64} {
  func.func @_dist_kernel(%arg0: i32, %arg1: memref<256x64xf32, #tpu.memory_space<vmem>>, %arg2: memref<8192x64xf32, #tpu.memory_space<vmem>>, %arg3: memref<1x1x256xi32, #tpu.memory_space<vmem>>, %arg4: memref<1x1xf32, #tpu.memory_space<vmem>>, %arg5: memref<1x1xf32, #tpu.memory_space<vmem>>, %arg6: memref<1x8192xf32, #tpu.memory_space<vmem>>) attributes {dimension_semantics = [#tpu.dimension_semantics<arbitrary>], iteration_bounds = array<i64: 64>, scalar_prefetch = 0 : i64, scratch_operands = 1 : i64, tpu.core_type = #tpu.core_type<tc>, window_params = [{transform_indices = @transform_0, window_bounds = array<i64: 256, 64>}, {pipeline_mode = #tpu.pipeline_mode<synchronous>, transform_indices = @transform_1, window_bounds = array<i64: 8192, 64>}, {transform_indices = @transform_2, window_bounds = array<i64: 1, 1, 256>}, {pipeline_mode = #tpu.pipeline_mode<synchronous>, transform_indices = @transform_3, window_bounds = array<i64: 1, 1>}, {pipeline_mode = #tpu.pipeline_mode<synchronous>, transform_indices = @transform_4, window_bounds = array<i64: 1, 1>}]} {
    %get3A = arith.constant 0 : index
    %get3A_0 = arith.constant 0 : index
    %get3A_1 = vector.load %arg1[%get3A, %get3A_0] : memref<256x64xf32, #tpu.memory_space<vmem>>, vector<256x64xf32>
    %get3A_2 = arith.constant 0 : index
    %get3A_3 = arith.constant 0 : index
    %get3A_4 = vector.load %arg2[%get3A_2, %get3A_3] : memref<8192x64xf32, #tpu.memory_space<vmem>>, vector<8192x64xf32>
    %mul3A = arith.mulf %get3A_1, %get3A_1 : vector<256x64xf32>
    %reduce_sum3A = arith.constant dense<0.000000e+00> : vector<256xf32>
    %reduce_sum3A_5 = vector.multi_reduction <add>, %mul3A, %reduce_sum3A [1] : vector<256x64xf32> to vector<256xf32>
    %broadcast_in_dim3A = vector.shape_cast %reduce_sum3A_5 : vector<256xf32> to vector<256x1xf32>
    %mul3A_6 = arith.mulf %get3A_4, %get3A_4 : vector<8192x64xf32>
    %reduce_sum3A_7 = arith.constant dense<0.000000e+00> : vector<8192xf32>
    %reduce_sum3A_8 = vector.multi_reduction <add>, %mul3A_6, %reduce_sum3A_7 [1] : vector<8192x64xf32> to vector<8192xf32>
    %dot_general3A = arith.constant dense<0.000000e+00> : vector<8192x256xf32>
    %dot_general3A_9 = tpu.matmul %get3A_4, %get3A_1, %dot_general3A {dimension_numbers = #tpu.dot_dimension_numbers<[1], [1], [0], [0], [0, 0, 1, 0], [], []>, transpose_lhs_hint = false} : vector<8192x64xf32>, vector<256x64xf32>, vector<8192x256xf32> -> vector<8192x256xf32>
    %transpose3A = tpu.transpose %dot_general3A_9, [1, 0] : vector<8192x256xf32> -> vector<256x8192xf32>
    %mul3A_10 = arith.constant 2.000000e+00 : f32
    %mul3A_11 = vector.broadcast %mul3A_10 : f32 to vector<256x8192xf32>
    %mul3A_12 = arith.mulf %mul3A_11, %transpose3A : vector<256x8192xf32>
    %sub3A = vector.broadcast %broadcast_in_dim3A : vector<256x1xf32> to vector<256x8192xf32>
    %sub3A_13 = arith.subf %sub3A, %mul3A_12 : vector<256x8192xf32>
    %broadcast_in_dim3A_14 = vector.shape_cast %reduce_sum3A_8 : vector<8192xf32> to vector<1x8192xf32>
    %add3A = vector.broadcast %broadcast_in_dim3A_14 : vector<1x8192xf32> to vector<256x8192xf32>
    %add3A_15 = arith.addf %sub3A_13, %add3A : vector<256x8192xf32>
    %iota3A = tpu.iota {dimensions = array<i32: 1>} : vector<256x4096xi32>
    %slice3A = vector.extract_strided_slice %add3A_15 {offsets = [0, 0], sizes = [256, 4096], strides = [1, 1]} : vector<256x8192xf32> to vector<256x4096xf32>
    %slice3A_16 = vector.extract_strided_slice %add3A_15 {offsets = [0, 4096], sizes = [256, 4096], strides = [1, 1]} : vector<256x8192xf32> to vector<256x4096xf32>
    %reduce_min3A = arith.constant dense<0x7F800000> : vector<256xf32>
    %reduce_min3A_17 = vector.multi_reduction <minimumf>, %slice3A, %reduce_min3A [1] : vector<256x4096xf32> to vector<256xf32>
    %broadcast_in_dim3A_18 = vector.shape_cast %reduce_min3A_17 : vector<256xf32> to vector<256x1xf32>
    %eq3A = vector.broadcast %broadcast_in_dim3A_18 : vector<256x1xf32> to vector<256x4096xf32>
    %eq3A_19 = arith.cmpf oeq, %slice3A, %eq3A : vector<256x4096xf32>
    %jit3A = arith.constant 8192 : i32
    %broadcast_in_dim3A_20 = vector.broadcast %jit3A : i32 to vector<256x4096xi32>
    %select_n3A = arith.select %eq3A_19, %iota3A, %broadcast_in_dim3A_20 : vector<256x4096xi1>, vector<256x4096xi32>
    %reduce_min3A_21 = arith.constant dense<2147483647> : vector<256xi32>
    %reduce_min3A_22 = vector.multi_reduction <minsi>, %select_n3A, %reduce_min3A_21 [1] : vector<256x4096xi32> to vector<256xi32>
    %reduce_min3A_23 = arith.constant dense<0x7F800000> : vector<256xf32>
    %reduce_min3A_24 = vector.multi_reduction <minimumf>, %slice3A_16, %reduce_min3A_23 [1] : vector<256x4096xf32> to vector<256xf32>
    %broadcast_in_dim3A_25 = vector.shape_cast %reduce_min3A_24 : vector<256xf32> to vector<256x1xf32>
    %eq3A_26 = vector.broadcast %broadcast_in_dim3A_25 : vector<256x1xf32> to vector<256x4096xf32>
    %eq3A_27 = arith.cmpf oeq, %slice3A_16, %eq3A_26 : vector<256x4096xf32>
    %jit3A_28 = arith.constant 8192 : i32
    %broadcast_in_dim3A_29 = vector.broadcast %jit3A_28 : i32 to vector<256x4096xi32>
    %select_n3A_30 = arith.select %eq3A_27, %iota3A, %broadcast_in_dim3A_29 : vector<256x4096xi1>, vector<256x4096xi32>
    %reduce_min3A_31 = arith.constant dense<2147483647> : vector<256xi32>
    %reduce_min3A_32 = vector.multi_reduction <minsi>, %select_n3A_30, %reduce_min3A_31 [1] : vector<256x4096xi32> to vector<256xi32>
    %add3A_33 = arith.constant 4096 : i32
    %add3A_34 = vector.broadcast %add3A_33 : i32 to vector<256xi32>
    %add3A_35 = arith.addi %reduce_min3A_32, %add3A_34 : vector<256xi32>
    %convert_element_type3A = arith.truncf %broadcast_in_dim3A_18 : vector<256x1xf32> to vector<256x1xbf16>
    %convert_element_type3A_36 = arith.extf %convert_element_type3A : vector<256x1xbf16> to vector<256x1xf32>
    %squeeze3A = vector.shape_cast %broadcast_in_dim3A_25 : vector<256x1xf32> to vector<256xf32>
    %squeeze3A_37 = vector.shape_cast %convert_element_type3A_36 : vector<256x1xf32> to vector<256xf32>
    %lt3A = arith.cmpf olt, %squeeze3A, %squeeze3A_37 : vector<256xf32>
    %select_n3A_38 = arith.select %lt3A, %add3A_35, %reduce_min3A_22 : vector<256xi1>, vector<256xi32>
    %broadcast_in_dim3A_39 = vector.shape_cast %select_n3A_38 : vector<256xi32> to vector<1x1x256xi32>
    %swap3A = arith.constant 0 : index
    %swap3A_40 = arith.constant 0 : index
    %swap3A_41 = arith.constant 0 : index
    %swap3A_42 = vector.load %arg3[%swap3A, %swap3A_40, %swap3A_41] : memref<1x1x256xi32, #tpu.memory_space<vmem>>, vector<1x1x256xi32>
    tpu.vector_store %arg3[%swap3A, %swap3A_40, %swap3A_41], %broadcast_in_dim3A_39 {strides = array<i32>} : memref<1x1x256xi32, #tpu.memory_space<vmem>>, vector<1x1x256xi32>,
    %squeeze3A_43 = vector.shape_cast %broadcast_in_dim3A_25 : vector<256x1xf32> to vector<256xf32>
    %squeeze3A_44 = vector.shape_cast %broadcast_in_dim3A_18 : vector<256x1xf32> to vector<256xf32>
    %select_n3A_45 = arith.select %lt3A, %squeeze3A_43, %squeeze3A_44 : vector<256xi1>, vector<256xf32>
    %reduce_sum3A_46 = vector.shape_cast %select_n3A_45 : vector<256xf32> to vector<1x256xf32>
    %reduce_sum3A_47 = arith.constant dense<0.000000e+00> : vector<1xf32>
    %reduce_sum3A_48 = vector.multi_reduction <add>, %reduce_sum3A_46, %reduce_sum3A_47 [1] : vector<1x256xf32> to vector<1xf32>
    %reduce_sum3A_49 = vector.shape_cast %reduce_sum3A_48 : vector<1xf32> to vector<1x1xf32>
    %reduce_sum3A_50 = vector.extract %reduce_sum3A_49[0, 0] : f32 from vector<1x1xf32>
    %eq3A_51 = arith.constant 0 : i32
    %eq3A_52 = arith.cmpi eq, %arg0, %eq3A_51 : i32
    %convert_element_type3A_53 = arith.extui %eq3A_52 : i1 to i32
    %cond3A = arith.constant 0 : i32
    %cond3A_54 = arith.cmpi ne, %convert_element_type3A_53, %cond3A : i32
    scf.if %cond3A_54 {
      %broadcast_in_dim3A_228 = arith.constant 0.000000e+00 : f32
      %broadcast_in_dim3A_229 = vector.broadcast %broadcast_in_dim3A_228 : f32 to vector<1x8192xf32>
      %swap3A_230 = arith.constant 0 : index
      %swap3A_231 = arith.constant 0 : index
      %swap3A_232 = vector.load %arg6[%swap3A_230, %swap3A_231] : memref<1x8192xf32, #tpu.memory_space<vmem>>, vector<1x8192xf32>
      tpu.vector_store %arg6[%swap3A_230, %swap3A_231], %broadcast_in_dim3A_229 {strides = array<i32>} : memref<1x8192xf32, #tpu.memory_space<vmem>>, vector<1x8192xf32>,
      %broadcast_in_dim3A_233 = arith.constant 0.000000e+00 : f32
      %broadcast_in_dim3A_234 = vector.broadcast %broadcast_in_dim3A_233 : f32 to vector<1x1xf32>
      %swap3A_235 = arith.constant 0 : index
      %swap3A_236 = arith.constant 0 : index
      %swap3A_237 = vector.load %arg4[%swap3A_235, %swap3A_236] : memref<1x1xf32, #tpu.memory_space<vmem>>, vector<1x1xf32>
      tpu.vector_store %arg4[%swap3A_235, %swap3A_236], %broadcast_in_dim3A_234 {strides = array<i32>} : memref<1x1xf32, #tpu.memory_space<vmem>>, vector<1x1xf32>,
    } else {
    }
    %get3A_55 = arith.constant 0 : index
    %get3A_56 = arith.constant 0 : index
    %get3A_57 = vector.load %arg4[%get3A_55, %get3A_56] : memref<1x1xf32, #tpu.memory_space<vmem>>, vector<1x1xf32>
    %add3A_58 = vector.broadcast %reduce_sum3A_50 : f32 to vector<1x1xf32>
    %add3A_59 = arith.addf %get3A_57, %add3A_58 : vector<1x1xf32>
    %swap3A_60 = arith.constant 0 : index
    %swap3A_61 = arith.constant 0 : index
    %swap3A_62 = vector.load %arg4[%swap3A_60, %swap3A_61] : memref<1x1xf32, #tpu.memory_space<vmem>>, vector<1x1xf32>
    tpu.vector_store %arg4[%swap3A_60, %swap3A_61], %add3A_59 {strides = array<i32>} : memref<1x1xf32, #tpu.memory_space<vmem>>, vector<1x1xf32>,
    %iota3A_63 = tpu.iota {dimensions = array<i32: 1>} : vector<1x1024xi32>
    %add3A_64 = arith.constant 0 : i32
    %add3A_65 = vector.broadcast %add3A_64 : i32 to vector<1x1024xi32>
    %add3A_66 = arith.addi %iota3A_63, %add3A_65 : vector<1x1024xi32>
    %broadcast_in_dim3A_67 = vector.shape_cast %select_n3A_38 : vector<256xi32> to vector<256x1xi32>
    %eq3A_68 = vector.broadcast %broadcast_in_dim3A_67 : vector<256x1xi32> to vector<256x1024xi32>
    %eq3A_69 = vector.broadcast %add3A_66 : vector<1x1024xi32> to vector<256x1024xi32>
    %eq3A_70 = arith.cmpi eq, %eq3A_68, %eq3A_69 : vector<256x1024xi32>
    %convert_element_type3A_71 = arith.extui %eq3A_70 : vector<256x1024xi1> to vector<256x1024xi32>
    %convert_element_type3A_72 = arith.sitofp %convert_element_type3A_71 : vector<256x1024xi32> to vector<256x1024xf32>
    %reduce_sum3A_73 = arith.constant dense<0.000000e+00> : vector<1024xf32>
    %reduce_sum3A_74 = vector.multi_reduction <add>, %convert_element_type3A_72, %reduce_sum3A_73 [0] : vector<256x1024xf32> to vector<1024xf32>
    %broadcast_in_dim3A_75 = vector.shape_cast %reduce_sum3A_74 : vector<1024xf32> to vector<1x1024xf32>
    %get3A_76 = arith.constant 0 : index
    %get3A_77 = arith.constant 0 : index
    %get3A_78 = vector.load %arg6[%get3A_76, %get3A_77] : memref<1x8192xf32, #tpu.memory_space<vmem>>, vector<1x1024xf32>
    %add3A_79 = arith.addf %get3A_78, %broadcast_in_dim3A_75 : vector<1x1024xf32>
    %swap3A_80 = arith.constant 0 : index
    %swap3A_81 = arith.constant 0 : index
    %swap3A_82 = vector.load %arg6[%swap3A_80, %swap3A_81] : memref<1x8192xf32, #tpu.memory_space<vmem>>, vector<1x1024xf32>
    tpu.vector_store %arg6[%swap3A_80, %swap3A_81], %add3A_79 {strides = array<i32>} : memref<1x8192xf32, #tpu.memory_space<vmem>>, vector<1x1024xf32>,
    %iota3A_83 = tpu.iota {dimensions = array<i32: 1>} : vector<1x1024xi32>
    %add3A_84 = arith.constant 1024 : i32
    %add3A_85 = vector.broadcast %add3A_84 : i32 to vector<1x1024xi32>
    %add3A_86 = arith.addi %iota3A_83, %add3A_85 : vector<1x1024xi32>
    %broadcast_in_dim3A_87 = vector.shape_cast %select_n3A_38 : vector<256xi32> to vector<256x1xi32>
    %eq3A_88 = vector.broadcast %broadcast_in_dim3A_87 : vector<256x1xi32> to vector<256x1024xi32>
    %eq3A_89 = vector.broadcast %add3A_86 : vector<1x1024xi32> to vector<256x1024xi32>
    %eq3A_90 = arith.cmpi eq, %eq3A_88, %eq3A_89 : vector<256x1024xi32>
    %convert_element_type3A_91 = arith.extui %eq3A_90 : vector<256x1024xi1> to vector<256x1024xi32>
    %convert_element_type3A_92 = arith.sitofp %convert_element_type3A_91 : vector<256x1024xi32> to vector<256x1024xf32>
    %reduce_sum3A_93 = arith.constant dense<0.000000e+00> : vector<1024xf32>
    %reduce_sum3A_94 = vector.multi_reduction <add>, %convert_element_type3A_92, %reduce_sum3A_93 [0] : vector<256x1024xf32> to vector<1024xf32>
    %broadcast_in_dim3A_95 = vector.shape_cast %reduce_sum3A_94 : vector<1024xf32> to vector<1x1024xf32>
    %get3A_96 = arith.constant 0 : index
    %get3A_97 = arith.constant 1024 : index
    %get3A_98 = vector.load %arg6[%get3A_96, %get3A_97] : memref<1x8192xf32, #tpu.memory_space<vmem>>, vector<1x1024xf32>
    %add3A_99 = arith.addf %get3A_98, %broadcast_in_dim3A_95 : vector<1x1024xf32>
    %swap3A_100 = arith.constant 0 : index
    %swap3A_101 = arith.constant 1024 : index
    %swap3A_102 = vector.load %arg6[%swap3A_100, %swap3A_101] : memref<1x8192xf32, #tpu.memory_space<vmem>>, vector<1x1024xf32>
    tpu.vector_store %arg6[%swap3A_100, %swap3A_101], %add3A_99 {strides = array<i32>} : memref<1x8192xf32, #tpu.memory_space<vmem>>, vector<1x1024xf32>,
    %iota3A_103 = tpu.iota {dimensions = array<i32: 1>} : vector<1x1024xi32>
    %add3A_104 = arith.constant 2048 : i32
    %add3A_105 = vector.broadcast %add3A_104 : i32 to vector<1x1024xi32>
    %add3A_106 = arith.addi %iota3A_103, %add3A_105 : vector<1x1024xi32>
    %broadcast_in_dim3A_107 = vector.shape_cast %select_n3A_38 : vector<256xi32> to vector<256x1xi32>
    %eq3A_108 = vector.broadcast %broadcast_in_dim3A_107 : vector<256x1xi32> to vector<256x1024xi32>
    %eq3A_109 = vector.broadcast %add3A_106 : vector<1x1024xi32> to vector<256x1024xi32>
    %eq3A_110 = arith.cmpi eq, %eq3A_108, %eq3A_109 : vector<256x1024xi32>
    %convert_element_type3A_111 = arith.extui %eq3A_110 : vector<256x1024xi1> to vector<256x1024xi32>
    %convert_element_type3A_112 = arith.sitofp %convert_element_type3A_111 : vector<256x1024xi32> to vector<256x1024xf32>
    %reduce_sum3A_113 = arith.constant dense<0.000000e+00> : vector<1024xf32>
    %reduce_sum3A_114 = vector.multi_reduction <add>, %convert_element_type3A_112, %reduce_sum3A_113 [0] : vector<256x1024xf32> to vector<1024xf32>
    %broadcast_in_dim3A_115 = vector.shape_cast %reduce_sum3A_114 : vector<1024xf32> to vector<1x1024xf32>
    %get3A_116 = arith.constant 0 : index
    %get3A_117 = arith.constant 2048 : index
    %get3A_118 = vector.load %arg6[%get3A_116, %get3A_117] : memref<1x8192xf32, #tpu.memory_space<vmem>>, vector<1x1024xf32>
    %add3A_119 = arith.addf %get3A_118, %broadcast_in_dim3A_115 : vector<1x1024xf32>
    %swap3A_120 = arith.constant 0 : index
    %swap3A_121 = arith.constant 2048 : index
    %swap3A_122 = vector.load %arg6[%swap3A_120, %swap3A_121] : memref<1x8192xf32, #tpu.memory_space<vmem>>, vector<1x1024xf32>
    tpu.vector_store %arg6[%swap3A_120, %swap3A_121], %add3A_119 {strides = array<i32>} : memref<1x8192xf32, #tpu.memory_space<vmem>>, vector<1x1024xf32>,
    %iota3A_123 = tpu.iota {dimensions = array<i32: 1>} : vector<1x1024xi32>
    %add3A_124 = arith.constant 3072 : i32
    %add3A_125 = vector.broadcast %add3A_124 : i32 to vector<1x1024xi32>
    %add3A_126 = arith.addi %iota3A_123, %add3A_125 : vector<1x1024xi32>
    %broadcast_in_dim3A_127 = vector.shape_cast %select_n3A_38 : vector<256xi32> to vector<256x1xi32>
    %eq3A_128 = vector.broadcast %broadcast_in_dim3A_127 : vector<256x1xi32> to vector<256x1024xi32>
    %eq3A_129 = vector.broadcast %add3A_126 : vector<1x1024xi32> to vector<256x1024xi32>
    %eq3A_130 = arith.cmpi eq, %eq3A_128, %eq3A_129 : vector<256x1024xi32>
    %convert_element_type3A_131 = arith.extui %eq3A_130 : vector<256x1024xi1> to vector<256x1024xi32>
    %convert_element_type3A_132 = arith.sitofp %convert_element_type3A_131 : vector<256x1024xi32> to vector<256x1024xf32>
    %reduce_sum3A_133 = arith.constant dense<0.000000e+00> : vector<1024xf32>
    %reduce_sum3A_134 = vector.multi_reduction <add>, %convert_element_type3A_132, %reduce_sum3A_133 [0] : vector<256x1024xf32> to vector<1024xf32>
    %broadcast_in_dim3A_135 = vector.shape_cast %reduce_sum3A_134 : vector<1024xf32> to vector<1x1024xf32>
    %get3A_136 = arith.constant 0 : index
    %get3A_137 = arith.constant 3072 : index
    %get3A_138 = vector.load %arg6[%get3A_136, %get3A_137] : memref<1x8192xf32, #tpu.memory_space<vmem>>, vector<1x1024xf32>
    %add3A_139 = arith.addf %get3A_138, %broadcast_in_dim3A_135 : vector<1x1024xf32>
    %swap3A_140 = arith.constant 0 : index
    %swap3A_141 = arith.constant 3072 : index
    %swap3A_142 = vector.load %arg6[%swap3A_140, %swap3A_141] : memref<1x8192xf32, #tpu.memory_space<vmem>>, vector<1x1024xf32>
    tpu.vector_store %arg6[%swap3A_140, %swap3A_141], %add3A_139 {strides = array<i32>} : memref<1x8192xf32, #tpu.memory_space<vmem>>, vector<1x1024xf32>,
    %iota3A_143 = tpu.iota {dimensions = array<i32: 1>} : vector<1x1024xi32>
    %add3A_144 = arith.constant 4096 : i32
    %add3A_145 = vector.broadcast %add3A_144 : i32 to vector<1x1024xi32>
    %add3A_146 = arith.addi %iota3A_143, %add3A_145 : vector<1x1024xi32>
    %broadcast_in_dim3A_147 = vector.shape_cast %select_n3A_38 : vector<256xi32> to vector<256x1xi32>
    %eq3A_148 = vector.broadcast %broadcast_in_dim3A_147 : vector<256x1xi32> to vector<256x1024xi32>
    %eq3A_149 = vector.broadcast %add3A_146 : vector<1x1024xi32> to vector<256x1024xi32>
    %eq3A_150 = arith.cmpi eq, %eq3A_148, %eq3A_149 : vector<256x1024xi32>
    %convert_element_type3A_151 = arith.extui %eq3A_150 : vector<256x1024xi1> to vector<256x1024xi32>
    %convert_element_type3A_152 = arith.sitofp %convert_element_type3A_151 : vector<256x1024xi32> to vector<256x1024xf32>
    %reduce_sum3A_153 = arith.constant dense<0.000000e+00> : vector<1024xf32>
    %reduce_sum3A_154 = vector.multi_reduction <add>, %convert_element_type3A_152, %reduce_sum3A_153 [0] : vector<256x1024xf32> to vector<1024xf32>
    %broadcast_in_dim3A_155 = vector.shape_cast %reduce_sum3A_154 : vector<1024xf32> to vector<1x1024xf32>
    %get3A_156 = arith.constant 0 : index
    %get3A_157 = arith.constant 4096 : index
    %get3A_158 = vector.load %arg6[%get3A_156, %get3A_157] : memref<1x8192xf32, #tpu.memory_space<vmem>>, vector<1x1024xf32>
    %add3A_159 = arith.addf %get3A_158, %broadcast_in_dim3A_155 : vector<1x1024xf32>
    %swap3A_160 = arith.constant 0 : index
    %swap3A_161 = arith.constant 4096 : index
    %swap3A_162 = vector.load %arg6[%swap3A_160, %swap3A_161] : memref<1x8192xf32, #tpu.memory_space<vmem>>, vector<1x1024xf32>
    tpu.vector_store %arg6[%swap3A_160, %swap3A_161], %add3A_159 {strides = array<i32>} : memref<1x8192xf32, #tpu.memory_space<vmem>>, vector<1x1024xf32>,
    %iota3A_163 = tpu.iota {dimensions = array<i32: 1>} : vector<1x1024xi32>
    %add3A_164 = arith.constant 5120 : i32
    %add3A_165 = vector.broadcast %add3A_164 : i32 to vector<1x1024xi32>
    %add3A_166 = arith.addi %iota3A_163, %add3A_165 : vector<1x1024xi32>
    %broadcast_in_dim3A_167 = vector.shape_cast %select_n3A_38 : vector<256xi32> to vector<256x1xi32>
    %eq3A_168 = vector.broadcast %broadcast_in_dim3A_167 : vector<256x1xi32> to vector<256x1024xi32>
    %eq3A_169 = vector.broadcast %add3A_166 : vector<1x1024xi32> to vector<256x1024xi32>
    %eq3A_170 = arith.cmpi eq, %eq3A_168, %eq3A_169 : vector<256x1024xi32>
    %convert_element_type3A_171 = arith.extui %eq3A_170 : vector<256x1024xi1> to vector<256x1024xi32>
    %convert_element_type3A_172 = arith.sitofp %convert_element_type3A_171 : vector<256x1024xi32> to vector<256x1024xf32>
    %reduce_sum3A_173 = arith.constant dense<0.000000e+00> : vector<1024xf32>
    %reduce_sum3A_174 = vector.multi_reduction <add>, %convert_element_type3A_172, %reduce_sum3A_173 [0] : vector<256x1024xf32> to vector<1024xf32>
    %broadcast_in_dim3A_175 = vector.shape_cast %reduce_sum3A_174 : vector<1024xf32> to vector<1x1024xf32>
    %get3A_176 = arith.constant 0 : index
    %get3A_177 = arith.constant 5120 : index
    %get3A_178 = vector.load %arg6[%get3A_176, %get3A_177] : memref<1x8192xf32, #tpu.memory_space<vmem>>, vector<1x1024xf32>
    %add3A_179 = arith.addf %get3A_178, %broadcast_in_dim3A_175 : vector<1x1024xf32>
    %swap3A_180 = arith.constant 0 : index
    %swap3A_181 = arith.constant 5120 : index
    %swap3A_182 = vector.load %arg6[%swap3A_180, %swap3A_181] : memref<1x8192xf32, #tpu.memory_space<vmem>>, vector<1x1024xf32>
    tpu.vector_store %arg6[%swap3A_180, %swap3A_181], %add3A_179 {strides = array<i32>} : memref<1x8192xf32, #tpu.memory_space<vmem>>, vector<1x1024xf32>,
    %iota3A_183 = tpu.iota {dimensions = array<i32: 1>} : vector<1x1024xi32>
    %add3A_184 = arith.constant 6144 : i32
    %add3A_185 = vector.broadcast %add3A_184 : i32 to vector<1x1024xi32>
    %add3A_186 = arith.addi %iota3A_183, %add3A_185 : vector<1x1024xi32>
    %broadcast_in_dim3A_187 = vector.shape_cast %select_n3A_38 : vector<256xi32> to vector<256x1xi32>
    %eq3A_188 = vector.broadcast %broadcast_in_dim3A_187 : vector<256x1xi32> to vector<256x1024xi32>
    %eq3A_189 = vector.broadcast %add3A_186 : vector<1x1024xi32> to vector<256x1024xi32>
    %eq3A_190 = arith.cmpi eq, %eq3A_188, %eq3A_189 : vector<256x1024xi32>
    %convert_element_type3A_191 = arith.extui %eq3A_190 : vector<256x1024xi1> to vector<256x1024xi32>
    %convert_element_type3A_192 = arith.sitofp %convert_element_type3A_191 : vector<256x1024xi32> to vector<256x1024xf32>
    %reduce_sum3A_193 = arith.constant dense<0.000000e+00> : vector<1024xf32>
    %reduce_sum3A_194 = vector.multi_reduction <add>, %convert_element_type3A_192, %reduce_sum3A_193 [0] : vector<256x1024xf32> to vector<1024xf32>
    %broadcast_in_dim3A_195 = vector.shape_cast %reduce_sum3A_194 : vector<1024xf32> to vector<1x1024xf32>
    %get3A_196 = arith.constant 0 : index
    %get3A_197 = arith.constant 6144 : index
    %get3A_198 = vector.load %arg6[%get3A_196, %get3A_197] : memref<1x8192xf32, #tpu.memory_space<vmem>>, vector<1x1024xf32>
    %add3A_199 = arith.addf %get3A_198, %broadcast_in_dim3A_195 : vector<1x1024xf32>
    %swap3A_200 = arith.constant 0 : index
    %swap3A_201 = arith.constant 6144 : index
    %swap3A_202 = vector.load %arg6[%swap3A_200, %swap3A_201] : memref<1x8192xf32, #tpu.memory_space<vmem>>, vector<1x1024xf32>
    tpu.vector_store %arg6[%swap3A_200, %swap3A_201], %add3A_199 {strides = array<i32>} : memref<1x8192xf32, #tpu.memory_space<vmem>>, vector<1x1024xf32>,
    %iota3A_203 = tpu.iota {dimensions = array<i32: 1>} : vector<1x1024xi32>
    %add3A_204 = arith.constant 7168 : i32
    %add3A_205 = vector.broadcast %add3A_204 : i32 to vector<1x1024xi32>
    %add3A_206 = arith.addi %iota3A_203, %add3A_205 : vector<1x1024xi32>
    %broadcast_in_dim3A_207 = vector.shape_cast %select_n3A_38 : vector<256xi32> to vector<256x1xi32>
    %eq3A_208 = vector.broadcast %broadcast_in_dim3A_207 : vector<256x1xi32> to vector<256x1024xi32>
    %eq3A_209 = vector.broadcast %add3A_206 : vector<1x1024xi32> to vector<256x1024xi32>
    %eq3A_210 = arith.cmpi eq, %eq3A_208, %eq3A_209 : vector<256x1024xi32>
    %convert_element_type3A_211 = arith.extui %eq3A_210 : vector<256x1024xi1> to vector<256x1024xi32>
    %convert_element_type3A_212 = arith.sitofp %convert_element_type3A_211 : vector<256x1024xi32> to vector<256x1024xf32>
    %reduce_sum3A_213 = arith.constant dense<0.000000e+00> : vector<1024xf32>
    %reduce_sum3A_214 = vector.multi_reduction <add>, %convert_element_type3A_212, %reduce_sum3A_213 [0] : vector<256x1024xf32> to vector<1024xf32>
    %broadcast_in_dim3A_215 = vector.shape_cast %reduce_sum3A_214 : vector<1024xf32> to vector<1x1024xf32>
    %get3A_216 = arith.constant 0 : index
    %get3A_217 = arith.constant 7168 : index
    %get3A_218 = vector.load %arg6[%get3A_216, %get3A_217] : memref<1x8192xf32, #tpu.memory_space<vmem>>, vector<1x1024xf32>
    %add3A_219 = arith.addf %get3A_218, %broadcast_in_dim3A_215 : vector<1x1024xf32>
    %swap3A_220 = arith.constant 0 : index
    %swap3A_221 = arith.constant 7168 : index
    %swap3A_222 = vector.load %arg6[%swap3A_220, %swap3A_221] : memref<1x8192xf32, #tpu.memory_space<vmem>>, vector<1x1024xf32>
    tpu.vector_store %arg6[%swap3A_220, %swap3A_221], %add3A_219 {strides = array<i32>} : memref<1x8192xf32, #tpu.memory_space<vmem>>, vector<1x1024xf32>,
    %eq3A_223 = arith.constant 63 : i32
    %eq3A_224 = arith.cmpi eq, %arg0, %eq3A_223 : i32
    %convert_element_type3A_225 = arith.extui %eq3A_224 : i1 to i32
    %cond3A_226 = arith.constant 0 : i32
    %cond3A_227 = arith.cmpi ne, %convert_element_type3A_225, %cond3A_226 : i32
    scf.if %cond3A_227 {
      %get3A_228 = arith.constant 0 : index
      %get3A_229 = arith.constant 0 : index
      %get3A_230 = vector.load %arg4[%get3A_228, %get3A_229] : memref<1x1xf32, #tpu.memory_space<vmem>>, vector<1x1xf32>
      %mul3A_231 = arith.constant 2.38418579E-7 : f32
      %mul3A_232 = vector.broadcast %mul3A_231 : f32 to vector<1x1xf32>
      %mul3A_233 = arith.mulf %get3A_230, %mul3A_232 : vector<1x1xf32>
      %swap3A_234 = arith.constant 0 : index
      %swap3A_235 = arith.constant 0 : index
      %swap3A_236 = vector.load %arg4[%swap3A_234, %swap3A_235] : memref<1x1xf32, #tpu.memory_space<vmem>>, vector<1x1xf32>
      tpu.vector_store %arg4[%swap3A_234, %swap3A_235], %mul3A_233 {strides = array<i32>} : memref<1x1xf32, #tpu.memory_space<vmem>>, vector<1x1xf32>,
      %get3A_237 = arith.constant 0 : index
      %get3A_238 = arith.constant 0 : index
      %get3A_239 = vector.load %arg6[%get3A_237, %get3A_238] : memref<1x8192xf32, #tpu.memory_space<vmem>>, vector<1x8192xf32>
      %mul3A_240 = arith.constant 6.10351563E-5 : f32
      %mul3A_241 = vector.broadcast %mul3A_240 : f32 to vector<1x8192xf32>
      %mul3A_242 = arith.mulf %get3A_239, %mul3A_241 : vector<1x8192xf32>
      %add3A_243 = arith.constant 1.000000e-10 : f32
      %add3A_244 = vector.broadcast %add3A_243 : f32 to vector<1x8192xf32>
      %add3A_245 = arith.addf %mul3A_242, %add3A_244 : vector<1x8192xf32>
      %log3A = math.log %add3A_245 : vector<1x8192xf32>
      %mul3A_246 = arith.mulf %mul3A_242, %log3A : vector<1x8192xf32>
      %reduce_sum3A_247 = vector.shape_cast %mul3A_246 : vector<1x8192xf32> to vector<1x1x8192xf32>
      %reduce_sum3A_248 = arith.constant dense<0.000000e+00> : vector<1xf32>
      %reduce_sum3A_249 = vector.multi_reduction <add>, %reduce_sum3A_247, %reduce_sum3A_248 [1, 2] : vector<1x1x8192xf32> to vector<1xf32>
      %reduce_sum3A_250 = vector.shape_cast %reduce_sum3A_249 : vector<1xf32> to vector<1x1x1xf32>
      %reduce_sum3A_251 = vector.extract %reduce_sum3A_250[0, 0, 0] : f32 from vector<1x1x1xf32>
      %neg3A = arith.constant 0.000000e+00 : f32
      %neg3A_252 = arith.subf %neg3A, %reduce_sum3A_251 : f32
      %exp3A = math.exp %neg3A_252 : f32
      %broadcast_in_dim3A_253 = vector.broadcast %exp3A : f32 to vector<1x1xf32>
      %swap3A_254 = arith.constant 0 : index
      %swap3A_255 = arith.constant 0 : index
      %swap3A_256 = vector.load %arg5[%swap3A_254, %swap3A_255] : memref<1x1xf32, #tpu.memory_space<vmem>>, vector<1x1xf32>
      tpu.vector_store %arg5[%swap3A_254, %swap3A_255], %broadcast_in_dim3A_253 {strides = array<i32>} : memref<1x1xf32, #tpu.memory_space<vmem>>, vector<1x1xf32>,
    } else {
    }
    return
  }
  func.func @transform_0(%arg0: i32) -> (i32, i32) {
    %c0_i32 = arith.constant 0 : i32
    %c0_i32_0 = arith.constant 0 : i32
    return %arg0, %c0_i32 : i32, i32
  }
  func.func @transform_1(%arg0: i32) -> (i32, i32) {
    %c0_i32 = arith.constant 0 : i32
    %c0_i32_0 = arith.constant 0 : i32
    %c0_i32_1 = arith.constant 0 : i32
    return %c0_i32, %c0_i32_0 : i32, i32
  }
  func.func @transform_2(%arg0: i32) -> (i32, i32, i32) {
    %c0_i32 = arith.constant 0 : i32
    %c0_i32_0 = arith.constant 0 : i32
    %c0_i32_1 = arith.constant 0 : i32
    return %arg0, %c0_i32, %c0_i32_0 : i32, i32, i32
  }
  func.func @transform_3(%arg0: i32) -> (i32, i32) {
    %c0_i32 = arith.constant 0 : i32
    %c0_i32_0 = arith.constant 0 : i32
    %c0_i32_1 = arith.constant 0 : i32
    return %c0_i32, %c0_i32_0 : i32, i32
  }
  func.func @transform_4(%arg0: i32) -> (i32, i32) {
    %c0_i32 = arith.constant 0 : i32
    %c0_i32_0 = arith.constant 0 : i32
    %c0_i32_1 = arith.constant 0 : i32
    return %c0_i32, %c0_i32_0 : i32, i32
  }
}

</mosaic_0001>

<sc_bundles>
// kernel: kernel.4.cloned.1.call-start
scs
__scs_entry_jumppad:
0x0: {  	(pc) =	sbr.rel $0x88, $3  }
0x1: {  	(tag) =	ssettag $0x0;
	lr =	simm.s32 $0x1  }
0x2: {  	[smem:$0x3F9F] =	sst lr;
	_ =	strace $0xD0000000  }
0x3: {  	_ = 	snop  }
0x4: {  	_ = 	snop  }
0x5: {  	_ = 	snop  }
0x6: {  	_ = 	snop  }
0x7: {  	_ = 	snop  }
__scs_overlays_trampoline_lowered:
0x8: {  	[smem:$0x3FAE] =	sst s0  }
0x9: {  	[smem:$0x3FAF] =	sst s1  }
0xa: {  	[smem:$0x3FB0] =	sst s2  }
0xb: {  	[smem:$0x3FB1] =	sst s3  }
0xc: {  	[smem:$0x3FB2] =	sst s4  }
0xd: {  	[smem:$0x3FB3] =	sst s5  }
0xe: {  	[smem:$0x3FB4] =	sst s6  }
0xf: {  	[smem:$0x3FB5] =	sst s7  }
0x10: {  	[smem:$0x3FB6] =	sst s8  }
0x11: {  	[smem:$0x3FB7] =	sst s9;
	s0 =	simm.s32 @!p0 $0x0  }
0x12: {  	s1 =	sld [smem:$0x3F9D];
	s0 =	simm.s32 @p0 $0x1  }
0x13: {  	[smem:$0x3FB8] =	sst s0;
	s0 =	simm.s32 @!p1 $0x0  }
0x14: {  	s2 =	sld [smem:$0x3F9C];
	s0 =	simm.s32 @p1 $0x1  }
0x15: {  	[smem:$0x3FB9] =	sst s0;
	s0 =	simm.s32 @!p2 $0x0  }
0x16: {  	s3 =	sld [smem:$0x3FDB];
	s0 =	simm.s32 @p2 $0x1  }
0x17: {  	s4 =	simm.s32 $0x1BF5;
	[smem:$0x3FBB] =	sst s0  }
0x18: {  	s0 =	sld [smem:$0x3F9E];
	_ =	swait.ge [sflag:s4], $0x0  }
0x19: {  	s7 =	sld [smem:$0x3F9F]  }
0x1a: {  	s8 =	sadd.s32 $0xFFFFE003, lr  }
0x1b: {  	s9 =	sadd.s32 $0xFFFFFEF7, lr;
	s5 =	simm.s32 $0xFFFFFFFF;
	p2 =	slt.u32 s8, $0xFFFFF086  }
0x1c: {  	p1 =	slt.u32 s9, $0xF7A;
	s5 =	simm.s32 @!p2 $0x0  }
0x1d: {  	s5 =	simm.s32 @p1 $0x1;
	p0 =	seq.s32 s7, s2  }
0x1e: {  	s7 =	smul.u32 @!p0 $0xF7A, s2;
	p2 =	seq.s32 @!p0 s5, $0x0  }
0x1f: {  	s9 =	smul.u32 $0xF7A, s1;
	s8 =	simm.s32 @!p0 $0x1BF5;
	p2 =	por !p2, p0  }
0x20: {  	[sflag:s8] =	ssyncset.s32 @!p0 $0xFFFFF086;
	s6 =	sadd.s32 @!p0 s3, s7;
	s7 =	simm.s32 @!p0 $0x108  }
0x21: {  	s3 =	sadd.s32 s3, s9;
	s6 =	sadd.s32 @!p0 $0x88, s6;
	s7 =	simm.s32 @p2 $0x1082  }
0x22: {  	[simem:s7], [sflag:s8] =	dma.local @!p0 [hbm:s6], $0xF7A  }
0x23: {  	s9 =	sor.u32 $0xD0000000, s2;
	s6 =	simm.s32 $0x108;
	_ =	swait.ge @!p0 [sflag:s8], $0x0  }
0x24: {  	s3 =	sadd.s32 $0x88, s3;
	s6 =	simm.s32 @!p1 $0x1082;
	[sflag:s4] =	ssyncset.s32 $0xFFFFF086  }
0x25: {  	[simem:s6], [sflag:s4] =	dma.local [hbm:s3], $0xF7A  }
0x26: {  	[smem:$0x3F9F] =	sst s1;
	(tag) =	ssettag s2;
	_ =	strace s9  }
0x27: {  	s1 =	sld [smem:$0x3FAF]  }
0x28: {  	s2 =	sld [smem:$0x3FB0]  }
0x29: {  	s4 =	sld [smem:$0x3FB2]  }
0x2a: {  	p0 =	seq.s32 s5, $0x0;
	s5 =	sld [smem:$0x3FB3]  }
0x2b: {  	s6 =	sld [smem:$0x3FB4]  }
0x2c: {  	s7 =	sld [smem:$0x3FB5]  }
0x2d: {  	s3 =	simm.s32 $0x108;
	s8 =	sld [smem:$0x3FB6]  }
0x2e: {  	s3 =	simm.s32 @!p0 $0x1082;
	s9 =	sld [smem:$0x3FB7]  }
0x2f: {  	lr =	sadd.s32 s0, s3;
	s0 =	sld [smem:$0x3FAE]  }
0x30: {  	s3 =	sld [smem:$0x3FB1]  }
0x31: {  	[smem:$0x3FBA] =	sst s10  }
0x32: {  	s10 =	sld [smem:$0x3FB8];
	_ =	sdelay $0x3  }
0x33: {  	p0 =	seq.s32 s10, $0x1;
	s10 =	sld [smem:$0x3FBA];
	_ =	sdelay $0x3  }
0x34: {  	[smem:$0x3FBA] =	sst s10  }
0x35: {  	s10 =	sld [smem:$0x3FB9];
	_ =	sdelay $0x3  }
0x36: {  	p1 =	seq.s32 s10, $0x1;
	s10 =	sld [smem:$0x3FBA];
	_ =	sdelay $0x3  }
0x37: {  	[smem:$0x3FBA] =	sst s10  }
0x38: {  	s10 =	sld [smem:$0x3FBB]  }
0x39: {  	_ = 	snop;
	(pc) =	sbr.ind lr, $3  }
0x3a: {  	_ = 	snop  }
0x3b: {  	_ = 	snop  }
0x3c: {  	p2 =	seq.s32 s10, $0x1;
	s10 =	sld [smem:$0x3FBA]  }
0x3d: {  	_ =	shalt  }
0x3e: {  	_ =	shalt  }
0x3f: {  	_ =	shalt  }
0x40: {  	_ =	shalt  }
0x41: {  	_ =	shalt  }
0x42: {  	_ =	shalt  }
0x43: {  	_ =	shalt  }
0x44: {  	_ =	shalt  }
0x45: {  	_ =	shalt  }
0x46: {  	_ =	shalt  }
0x47: {  	_ =	shalt  }
0x48: {  	_ =	shalt  }
0x49: {  	_ =	shalt  }
0x4a: {  	_ =	shalt  }
0x4b: {  	_ =	shalt  }
0x4c: {  	_ =	shalt  }
0x4d: {  	_ =	shalt  }
0x4e: {  	_ =	shalt  }
0x4f: {  	_ =	shalt  }
0x50: {  	_ =	shalt  }
0x51: {  	_ =	shalt  }
0x52: {  	_ =	shalt  }
0x53: {  	_ =	shalt  }
0x54: {  	_ =	shalt  }
0x55: {  	_ =	shalt  }
0x56: {  	_ =	shalt  }
0x57: {  	_ =	shalt  }
0x58: {  	_ =	shalt  }
0x59: {  	_ =	shalt  }
0x5a: {  	_ =	shalt  }
0x5b: {  	_ =	shalt  }
0x5c: {  	_ =	shalt  }
0x5d: {  	_ =	shalt  }
0x5e: {  	_ =	shalt  }
0x5f: {  	_ =	shalt  }
0x60: {  	_ =	shalt  }
0x61: {  	_ =	shalt  }
0x62: {  	_ =	shalt  }
0x63: {  	_ =	shalt  }
0x64: {  	_ =	shalt  }
0x65: {  	_ =	shalt  }
0x66: {  	_ =	shalt  }
0x67: {  	_ =	shalt  }
0x68: {  	_ =	shalt  }
0x69: {  	_ =	shalt  }
0x6a: {  	_ =	shalt  }
0x6b: {  	_ =	shalt  }
0x6c: {  	_ =	shalt  }
0x6d: {  	_ =	shalt  }
0x6e: {  	_ =	shalt  }
0x6f: {  	_ =	shalt  }
0x70: {  	_ =	shalt  }
0x71: {  	_ =	shalt  }
0x72: {  	_ =	shalt  }
0x73: {  	_ =	shalt  }
0x74: {  	_ =	shalt  }
0x75: {  	_ =	shalt  }
0x76: {  	_ =	shalt  }
0x77: {  	_ =	shalt  }
0x78: {  	_ =	shalt  }
0x79: {  	_ =	shalt  }
0x7a: {  	_ =	shalt  }
0x7b: {  	_ =	shalt  }
0x7c: {  	_ =	shalt  }
0x7d: {  	_ =	shalt  }
0x7e: {  	_ =	shalt  }
0x7f: {  	_ =	shalt  }
0x80: {  	_ =	shalt  }
0x81: {  	_ =	shalt  }
0x82: {  	_ =	shalt  }
0x83: {  	_ =	shalt  }
0x84: {  	_ =	shalt  }
0x85: {  	_ =	shalt  }
0x86: {  	_ =	shalt  }
0x87: {  	_ =	shalt  }
.Lfunc_end0:
.L_simem_size_0:
called_computation_lowered:
.L_overlay_start_0:
0x88: {  	s2 =	sld [smem:$0x3FD9]  }
0x89: {  	s3 =	sld [smem:$0x3FFE];
	_ =	sdelay $0x1  }
0x8a: {  	s1 =	srdreg.scid  }
0x8b: {  	s0 =	sand.u32 $0x1, s1  }
0x8c: {  	s14 =	sshll.u32 s0, $0xA;
	s2 =	sadd.s32 s3, s2  }
0x8d: {  	s2 =	sadd.s32 s2, s14  }
0x8e: {  	[smem:$0x3FC6] =	sst s2  }
0x8f: {  	_ = 	snop  }
0x90: {  	s2 =	sld [smem:$0x3FD0];
	_ =	sdelay $0x2  }
0x91: {  	s15 =	simm.s32 $0xA;
	s4 =	simm.s32 $0x10  }
0x92: {  	[smem:s4], [sflag:s15] =	dma.local [hbm:s2], $0x1  }
0x93: {  	_ =	swait.eq [sflag:s15], $0x1  }
0x94: {  	[sflag:s15] =	ssyncset.done $0x0  }
0x95: {  	[sflag:s15] =	ssyncadd.s32 $0xFFFFFFFF  }
0x96: {  	s16 =	sld [smem:$0x10];
	(tm) =	ssettm $0x1  }
0x97: {  	s17 =	sld [smem:$0x3FFB];
	_ =	sdelay $0x3  }
0x98: {  	_ =	strace s17  }
0x99: {  	s3 =	sld [smem:$0x3FFC];
	_ =	sdelay $0x3  }
0x9a: {  	_ =	strace s3  }
0x9b: {  	s3 =	sld [smem:$0x3FFD];
	_ =	sdelay $0x3  }
0x9c: {  	_ =	strace s3  }
0x9d: {  	_ =	strace $0x8FFFFFFF  }
0x9e: {  	s18 =	sld [smem:$0x3FDB];
	_ =	sdelay $0x1  }
0x9f: {  	s19 =	simm.s32 $_scs_section_size  }
0xa0: {  	s5 =	simm.s32 $_size__tile_overlayer_lowered;
	s6 =	simm.s32 $_tile_overlayer_lowered  }
0xa1: {  	s22 =	simm.s32 $0x1BFF;
	s21 =	sshll.u32 s6, $0x1;
	s3 =	sadd.s32 s19, s18  }
0xa2: {  	s7 =	simm.s32 $0x0;
	s20 =	sshll.u32 s5, $0x1;
	s5 =	sadd.s32 s21, s3  }
0xa3: {  	[timem:s7], [sflag:s22] =	dma.local [hbm:s5], s20  }
0xa4: {  	_ =	swait.ge [sflag:s22], s20  }
0xa5: {  	s4 =	ssub.s32 $0x0, s20;
	[sflag:s22] =	ssyncset.done $0x0  }
0xa6: {  	[sflag:s22] =	ssyncadd.s32 s4;
	_ =	sdelay $0x1  }
0xa7: {  	s23 =	simm.s32 $0x1B8B  }
0xa8: {  	_ =	swait.ge [sflag:s23], $0x1  }
0xa9: {  	[sflag:s23] =	ssyncset.done $0x0  }
0xaa: {  	s25 =	simm.s32 $0x1B8E;
	s24 =	sld [smem:$0x3FFE];
	[sflag:s23] =	ssyncadd.s32 $0xFFFFFFFF  }
0xab: {  	s26 =	simm.s32 $execute0_lowered;
	[smem:$0x3FD2] =	sst s25  }
0xac: {  	s5 =	sshll.u32 s26, $0x1;
	_ =	strace $0x80000046;
	[dreg:$0x1] =	wrdreg $0xFFFFFFFF  }
0xad: {  	s28 =	simm.s32 $_size_execute0_lowered;
	s3 =	sadd.s32 s3, s5;
	[dreg:$0x0] =	wrdreg $0x0  }
0xae: {  	s5 =	sshll.u32 s28, $0x1;
	[dreg:$0x2] =	wrdreg s3  }
0xaf: {  	[dreg:$0x3] =	wrdreg s5  }
0xb0: {  	[dreg:$0x4] =	wrdreg $0xC0  }
0xb1: {  	_ =	task [dreg:s7], $0x5FFFF  }
0xb2: {  	[dreg:$0x1] =	wrdreg $0xFFFFFFFF  }
0xb3: {  	[dreg:$0x0] =	wrdreg $0x60  }
0xb4: {  	[dreg:$0x2] =	wrdreg s24  }
0xb5: {  	[dreg:$0x3] =	wrdreg s16  }
0xb6: {  	[dreg:$0x4] =	wrdreg $0x9  }
0xb7: {  	_ =	task.clear_ibuf [dreg:s7], $0x5FFFF;
	_ =	strace $0x90000046  }
0xb8: {  	s29 =	simm.s32 $0x9;
	_ =	strace $0x80000048  }
0xb9: {  	_ =	swait.ge [sflag:s29], $0x1  }
0xba: {  	[sflag:s29] =	ssyncadd.s32 $0xFFFFFFFF  }
0xbb: {  	_ =	strace $0x90000048  }
0xbc: {  	_ =	sfence  }
0xbd: {  	s30 =	sld [smem:$0x0];
	_ =	sdelay $0x2  }
0xbe: {  	s31 =	sshll.u32 s1, $0xD;
	s1 =	sshrl.u32 s1, $0x2  }
0xbf: {  	s3 =	sand.u32 $0x4000, s31;
	s1 =	sadd.s32 s1, s30  }
0xc0: {  	s0 =	sor.u32 s3, s0;
	s1 =	sshll.u32 s1, $0x11  }
0xc1: {  	s0 =	sor.u32 s1, s0  }
0xc2: {  	s0 =	sadd.s32 $0x8F2B, s0  }
0xc3: {  	[sflag:s0] =	ssyncadd.remote.s32 $0x1  }
0xc4: {  	_ =	sfence.sel $0xFFFF  }
0xc5: {  	[dreg:$0x0] =	wrdreg $0xFFFFFFFF;
	(pc) =	sbr.abs _section_cstart, $3  }
0xc6: {  	[dreg:$0x1] =	wrdreg $0xFFFFFFFF  }
0xc7: {  	_ =	task.clear_ibuf [dreg:s7], $0x2FFFF;
	_ =	strace $0x9FFFFFFF  }
0xc8: {  	(tm) =	ssettm $0x7FFFFFFF  }
0xc9: {  	_ =	shalt  }
tec
execute0_lowered:
.L_overlay_start_1:
0x0: {  	(tag) =	ssettag $0x1  }
0x1: {  	s1 =	srdreg.scid  }
0x2: {  	s0 =	stileid.u32;
	s14 =	sand.u32 $0x1, s1  }
0x3: {  	s5 =	rddreg [dreg:$0x0];
	s29 =	sshll.u32 s0, $0xA;
	s2 =	sshll.u32 s14, $0x9  }
0x4: {  	s15 =	rddreg [dreg:$0x1];
	s16 =	sor.u32 s2, s29  }
0x5: {  	s1 =	rddreg [dreg:$0x2];
	s2 =	simm.s32 $0x0;
	s3 =	sshrl.u32 s16, $0x3  }
0x6: {  	[smem:$0x7FF] =	sst s2;
	s3 =	sadd.s32 s3, s5  }
0x7: {  	_ =	strace $0x80000047;
	s4 =	sadd.s32 $0x800, s3;
	s3 =	simm.s32 $0x2  }
0x8: {  	[tilespmem:s2], [sflag:$0x2] =	stream.linear.gather [hbm4b:s4+s2], $0x200, $0x38;
	[tilespmem:$0x10200] =	vst v63  }
0x9: {  	_ =	swait.ge [sflag:s3], $0x200  }
0xa: {  	s6 =	simm.s32 $0x80;
	[sflag:s3] =	ssyncset.done $0x0  }
0xb: {  	s7 =	simm.s32 $0x200;
	s5 =	sadd.s32 $0x1000, s5;
	[sflag:s3] =	ssyncadd.s32 $0xFFFFFE00  }
0xc: {  	[tilespmem:s7], [sflag:$0x1] =	stream.indirect.gather [hbm4b:s5+s6], $0x80, s2, s6, $0xb8;
	[tilespmem:$0x10200] =	vst v63  }
0xd: {  	s8 =	simm.s32 $0x4200  }
0xe: {  	[tilespmem:s8], [sflag:$0x1] =	stream.indirect.gather [hbm4b:s5+s6], $0x80, s6, s6, $0xb8;
	[tilespmem:$0x10200] =	vst v63  }
0xf: {  	s9 =	simm.s32 $0x100;
	s10 =	simm.s32 $0x8200  }
0x10: {  	[tilespmem:s10], [sflag:$0x1] =	stream.indirect.gather [hbm4b:s5+s6], $0x80, s9, s6, $0xb8;
	[tilespmem:$0x10200] =	vst v63  }
0x11: {  	s11 =	simm.s32 $0x180;
	s12 =	simm.s32 $0xC200;
	s13 =	simm.s32 $0x1  }
0x12: {  	[tilespmem:s12], [sflag:$0x1] =	stream.indirect.gather [hbm4b:s5+s6], $0x80, s11, s6, $0xb8;
	[tilespmem:$0x10200] =	vst v63  }
0x13: {  	_ =	swait.ge [sflag:s13], $0x4000  }
0x14: {  	[sflag:s13] =	ssyncset.done $0x0  }
0x15: {  	[sflag:s13] =	ssyncadd.s32 $0xFFFFC000  }
0x16: {  	_ =	swait.ge [sflag:s13], $0x4000  }
0x17: {  	[sflag:s13] =	ssyncset.done $0x0  }
0x18: {  	s14 =	ssub.s32 $0x2, s14;
	[sflag:s13] =	ssyncadd.s32 $0xFFFFC000  }
0x19: {  	s17 =	sshrl.u32 s14, $0x1;
	_ =	swait.ge [sflag:s13], $0x4000  }
0x1a: {  	s17 =	ssub.s32 s14, s17;
	[sflag:s13] =	ssyncset.done $0x0  }
0x1b: {  	s31 =	smax.u32 s17, $0x1;
	[sflag:s13] =	ssyncadd.s32 $0xFFFFC000  }
0x1c: {  	p0 =	sne.s32 s31, $0x1;
	_ =	swait.ge [sflag:s13], $0x4000  }
.Ltmp0:
0x1d: {  	s30 =	sshll.u32 s16, $0x4;
	[sflag:s13] =	ssyncset.done $0x0;
	(pc) =	sbr.rel @!p0 .LBB2_2-.Ltmp0, $4  }
0x1e: {  	s14 =	sadd.s32 s15, s30;
	[sflag:s13] =	ssyncadd.s32 $0xFFFFC000  }
0x1f: {  	[hbm4b:s14+s2] =	stream.linear.scatter [tilespmem:s7], [sflag:$0x2], $0x10000, $0x38;
	[tilespmem:$0x10200] =	vst v63  }
0x20: {  	_ =	swait.ge [sflag:s3], $0x10000  }
0x21: {  	s15 =	sadd.s32 $0xFFFFFFFF, s31;
	[sflag:s3] =	ssyncset.done $0x0  }
.LBB2_1:
0x22: {  	p0 =	sne.s32 s15, $0x1;
	s15 =	sadd.s32 $0xFFFFFFFF, s15;
	[sflag:s3] =	ssyncadd.s32 $0xFFFF0000  }
0x23: {  	[tilespmem:s2], [sflag:$0x2] =	stream.linear.gather [hbm4b:s4+s2], $0x200, $0x38;
	[tilespmem:$0x10200] =	vst v63  }
0x24: {  	_ =	swait.ge [sflag:s3], $0x200  }
0x25: {  	[sflag:s3] =	ssyncset.done $0x0  }
0x26: {  	[sflag:s3] =	ssyncadd.s32 $0xFFFFFE00  }
0x27: {  	[tilespmem:s7], [sflag:$0x1] =	stream.indirect.gather [hbm4b:s5+s6], $0x80, s2, s6, $0xb8;
	[tilespmem:$0x10200] =	vst v63  }
0x28: {  	_ = 	snop  }
0x29: {  	[tilespmem:s8], [sflag:$0x1] =	stream.indirect.gather [hbm4b:s5+s6], $0x80, s6, s6, $0xb8;
	[tilespmem:$0x10200] =	vst v63  }
0x2a: {  	_ = 	snop  }
0x2b: {  	[tilespmem:s10], [sflag:$0x1] =	stream.indirect.gather [hbm4b:s5+s6], $0x80, s9, s6, $0xb8;
	[tilespmem:$0x10200] =	vst v63  }
0x2c: {  	_ = 	snop  }
0x2d: {  	[tilespmem:s12], [sflag:$0x1] =	stream.indirect.gather [hbm4b:s5+s6], $0x80, s11, s6, $0xb8;
	[tilespmem:$0x10200] =	vst v63  }
0x2e: {  	_ =	swait.ge [sflag:s13], $0x4000  }
0x2f: {  	[sflag:s13] =	ssyncset.done $0x0  }
0x30: {  	[sflag:s13] =	ssyncadd.s32 $0xFFFFC000  }
0x31: {  	_ =	swait.ge [sflag:s13], $0x4000  }
0x32: {  	[sflag:s13] =	ssyncset.done $0x0  }
0x33: {  	[sflag:s13] =	ssyncadd.s32 $0xFFFFC000  }
0x34: {  	_ =	swait.ge [sflag:s13], $0x4000  }
0x35: {  	[sflag:s13] =	ssyncset.done $0x0  }
0x36: {  	[sflag:s13] =	ssyncadd.s32 $0xFFFFC000  }
0x37: {  	_ =	swait.ge [sflag:s13], $0x4000  }
.Ltmp1:
0x38: {  	[sflag:s13] =	ssyncset.done $0x0;
	(pc) =	sbr.rel @p0 .LBB2_1-.Ltmp1, $4  }
0x39: {  	[sflag:s13] =	ssyncadd.s32 $0xFFFFC000  }
0x3a: {  	[hbm4b:s14+s2] =	stream.linear.scatter [tilespmem:s7], [sflag:$0x2], $0x10000, $0x38;
	[tilespmem:$0x10200] =	vst v63  }
0x3b: {  	_ =	swait.ge [sflag:s3], $0x10000  }
0x3c: {  	[sflag:s3] =	ssyncset.done $0x0  }
.LBB2_2:
0x3d: {  	[sflag:s3] =	ssyncadd.s32 $0xFFFF0000  }
0x3e: {  	_ =	sfence.sel $0x180000  }
0x3f: {  	[bflag:$0x0] =	sbarrier.arrive $0xFFFF  }
0x40: {  	p0 =	sne.s32 s0, $0x0;
	_ =	strace $0x90000047  }
0x41: {  	s0 =	sadd.s32 @!p0 $0x100000, s1;
	[bflag:$0x2] =	sbarrier.arrive $0xFFFF  }
0x42: {  	[sflag:s0] =	ssyncadd.tile.s32 @!p0 $0x1;
	_ =	shalt  }
.Lfunc_end2:
_tile_overlayer_lowered:
.L_overlay_start_2:
0x43: {  	(tag) =	ssettag $0x2  }
0x44: {  	s0 =	rddreg [dreg:$0x0];
	s2 =	stileid.u32  }
0x45: {  	s1 =	rddreg [dreg:$0x1];
	p0 =	sne.s32 s2, $0x0  }
0x46: {  	s3 =	rddreg [dreg:$0x2];
	[bflag:$0x3] =	sbarrier.arrive $0xFFFF;
	s2 =	simm.s32 @!p0 $0x1C02  }
0x47: {  	[timem:s3], [sflag:s2] =	dma.local @!p0 [hbm:s0], s1  }
0x48: {  	s0 =	simm.s32 @!p0 $0x2  }
0x49: {  	_ =	swait.ge @!p0 [sflag:s0], s1  }
0x4a: {  	s1 =	ssub.s32 @!p0 $0x0, s1;
	[sflag:s0] =	ssyncset.done @!p0 $0x0  }
0x4b: {  	[sflag:s0] =	ssyncadd.s32 @!p0 s1  }
0x4c: {  	[bflag:$0x3] =	sbarrier.arrive $0xFFFF  }
0x4d: {  	_ =	shalt  }

</sc_bundles>
